<compile_context>
chip_gen: v7x
topology: tpu7x:2x2x1
jax: 0.10.2.dev20260603
libtpu: 0.0.44.dev20260713+nightly
codegen_flags: <defaults>
</compile_context>

<pallas_src>
import functools

import jax
import jax.numpy as jnp
from jax import lax
from jax.experimental import pallas as pl
from jax.experimental.pallas import tpu as pltpu
from jax.experimental.pallas import tpu_sc as plsc

BATCH = 1024
SEQ = 200
VOCAB = 100000
NUM_CLASSES = 2
NUM_SUBCORES = 16
ROWS_PER_WORKER = BATCH // NUM_SUBCORES
TOKENS_PER_WORKER = ROWS_PER_WORKER * SEQ
ROW_GROUPS = ROWS_PER_WORKER // 16


def _sc_body(ids_hbm, w_hbm, b_hbm, out_hbm, ids_v, w_v, b_v, out_v,
             w_sem, ids_sem):
    s = lax.axis_index("s")

    cw = pltpu.async_copy(w_hbm, w_v, w_sem)
    ci = pltpu.async_copy(
        ids_hbm.at[pl.ds(s * TOKENS_PER_WORKER, TOKENS_PER_WORKER)],
        ids_v, ids_sem)
    pltpu.sync_copy(b_hbm, b_v)
    cw.wait()
    ci.wait()

    lane = lax.iota(jnp.int32, 16)
    w_v[pl.ds(0, 16)] = jnp.where(lane == 0, 0, w_v[pl.ds(0, 16)])

    b0 = b_v[pl.ds(0, 16)]
    b1 = b_v[pl.ds(16, 16)]
    zero = jnp.zeros((16,), jnp.float32)
    himask = jnp.full((16,), -65536, jnp.int32)

    def body_l(l, accs):
        base = l * ROWS_PER_WORKER
        out = []
        for g in range(ROW_GROUPS):
            ids16 = ids_v[pl.ds(base + g * 16, 16)]
            pair = plsc.load_gather(w_v, [ids16])
            f0 = plsc.bitcast(pair << 16, jnp.float32)
            f1 = plsc.bitcast(pair & himask, jnp.float32)
            out.append((accs[g][0] + f0, accs[g][1] + f1))
        return tuple(out)

    accs = lax.fori_loop(0, SEQ, body_l, ((zero, zero),) * ROW_GROUPS)
    for g in range(ROW_GROUPS):
        out_v[pl.ds(g * 16, 16)] = accs[g][0] + b0
        out_v[pl.ds(ROWS_PER_WORKER + g * 16, 16)] = accs[g][1] + b1

    pltpu.sync_copy(out_v.at[pl.ds(0, ROWS_PER_WORKER)],
                    out_hbm.at[pl.ds(s * ROWS_PER_WORKER, ROWS_PER_WORKER)])
    pltpu.sync_copy(
        out_v.at[pl.ds(ROWS_PER_WORKER, ROWS_PER_WORKER)],
        out_hbm.at[pl.ds(BATCH + s * ROWS_PER_WORKER, ROWS_PER_WORKER)])


@jax.jit
def _bow_logits(ids_flat, w_pair, b16):
    mesh = plsc.VectorSubcoreMesh(core_axis_name="c", subcore_axis_name="s",
                                  num_cores=1)
    run = functools.partial(
        pl.kernel,
        mesh=mesh,
        out_type=jax.ShapeDtypeStruct((NUM_CLASSES * BATCH,), jnp.float32),
        scratch_types=[
            pltpu.VMEM((TOKENS_PER_WORKER,), jnp.int32),
            pltpu.VMEM((VOCAB,), jnp.int32),
            pltpu.VMEM((32,), jnp.float32),
            pltpu.VMEM((2 * ROWS_PER_WORKER,), jnp.float32),
            pltpu.SemaphoreType.DMA,
            pltpu.SemaphoreType.DMA,
        ],
        compiler_params=pltpu.CompilerParams(needs_layout_passes=False),
    )(_sc_body)
    return run(ids_flat, w_pair, b16)


def kernel(input_ids, W, b):
    ids_w = input_ids.astype(jnp.int32).reshape(
        NUM_SUBCORES, ROWS_PER_WORKER, SEQ).transpose(0, 2, 1)
    bits = lax.bitcast_convert_type(W.astype(jnp.bfloat16), jnp.uint16)
    w_pair = lax.bitcast_convert_type(
        (bits[1].astype(jnp.uint32) << 16) | bits[0].astype(jnp.uint32),
        jnp.int32)
    b16 = jnp.repeat(b, 16)
    out = _bow_logits(ids_w.reshape(-1), w_pair, b16)
    return out.reshape(NUM_CLASSES, BATCH).T

# --- scband reference (transcript-rebuilt; emitter-appended) ---
"""Pipeline reference for scband-bag-of-words-classifier-5420248727899 (READ-ONLY COPY).

The authoritative reference and input builder live on the scoring server;
editing this copy changes nothing except your own understanding.
"""

import jax, jax.numpy as jnp
import numpy as np

VOCAB = 100000
NUM_CLASSES = 2
BATCH = 1024
SEQ = 200

def setup_inputs(seed: int = 0) -> dict:
    key = jax.random.key(seed)
    k1, k2, k3 = jax.random.split(key, 3)
    input_ids = jax.random.randint(k1, (BATCH, SEQ), 0, VOCAB, dtype=jnp.int64 if jax.config.jax_enable_x64 else jnp.int32)
    # nn.Linear(vocab_size, num_classes): weight [num_classes, vocab], bias [num_classes]
    bound = 1.0 / np.sqrt(VOCAB)
    W = jax.random.uniform(k2, (NUM_CLASSES, VOCAB), minval=-bound, maxval=bound, dtype=jnp.float32)
    b = jax.random.uniform(k3, (NUM_CLASSES,), minval=-bound, maxval=bound, dtype=jnp.float32)
    return {"input_ids": input_ids, "W": W, "b": b}

def reference(input_ids, W, b):
    # Bag-of-words histogram: count occurrences of each token id, skipping pad id 0.
    B, L = input_ids.shape
    vocab = W.shape[1]
    rows = jnp.repeat(jnp.arange(B), L)
    ids = input_ids.reshape(-1)
    vals = (ids != 0).astype(jnp.float32)  # token_id == 0 is not counted
    bow = jnp.zeros((B, vocab), dtype=jnp.float32).at[rows, ids].add(vals)
    logits = bow @ W.T + b
    return logits

if __name__ == "__main__":
    import jax
    _d = setup_inputs()
    print(jax.jit(kernel)(*tuple(_d.values())))

</pallas_src>

<mosaic_0001>
#map = affine_map<(d0, d1) -> (0)>
module attributes {stable_mosaic.version = 14 : i64} {
  func.func @_sc_body(%arg0: i32, %arg1: i32, %arg2: memref<204800xi32, #tpu.memory_space<hbm>>, %arg3: memref<100000xi32, #tpu.memory_space<hbm>>, %arg4: memref<32xf32, #tpu.memory_space<hbm>>, %arg5: memref<2048xf32, #tpu.memory_space<hbm>>, %arg6: memref<12800xi32, #tpu.memory_space<vmem>>, %arg7: memref<100000xi32, #tpu.memory_space<vmem>>, %arg8: memref<32xf32, #tpu.memory_space<vmem>>, %arg9: memref<128xf32, #tpu.memory_space<vmem>>, %arg10: memref<!tpu.dma_semaphore, #tpu.memory_space<semaphore_mem>>, %arg11: memref<!tpu.dma_semaphore, #tpu.memory_space<semaphore_mem>>) attributes {dimension_semantics = [#tpu.dimension_semantics<core_parallel>, #tpu.dimension_semantics<subcore_parallel>], iteration_bounds = array<i64: 1, 16>, scalar_prefetch = 0 : i64, scratch_operands = 6 : i64, tpu.core_type = #tpu.core_type<sc_vector_subcore>, window_params = [{transform_indices = #map}, {transform_indices = #map}, {transform_indices = #map}, {transform_indices = #map}]} {
    tpu.enqueue_dma source(%arg3 : memref<100000xi32, #tpu.memory_space<hbm>>) target(%arg7 : memref<100000xi32, #tpu.memory_space<vmem>>) target_semaphore(%arg10 : memref<!tpu.dma_semaphore, #tpu.memory_space<semaphore_mem>>)
    %mul3A = arith.constant 12800 : i32
    %mul3A_0 = arith.muli %arg1, %mul3A : i32
    %dma_start3A = tpu.memref_slice %arg2[%mul3A_0] : memref<204800xi32, #tpu.memory_space<hbm>> -> memref<12800xi32, #tpu.memory_space<hbm>>
    %dma_start3A_1 = tpu.memref_slice %arg2[%mul3A_0] : memref<204800xi32, #tpu.memory_space<hbm>> -> memref<12800xi32, #tpu.memory_space<hbm>>
    tpu.enqueue_dma source(%dma_start3A_1 : memref<12800xi32, #tpu.memory_space<hbm>>) target(%arg6 : memref<12800xi32, #tpu.memory_space<vmem>>) target_semaphore(%arg11 : memref<!tpu.dma_semaphore, #tpu.memory_space<semaphore_mem>>)
    "tpu.region"() ({
      %run_scoped3A = tpu.sem_alloc : memref<!tpu.dma_semaphore, #tpu.memory_space<semaphore_mem>>
      tpu.enqueue_dma source(%arg4 : memref<32xf32, #tpu.memory_space<hbm>>) target(%arg8 : memref<32xf32, #tpu.memory_space<vmem>>) target_semaphore(%run_scoped3A : memref<!tpu.dma_semaphore, #tpu.memory_space<semaphore_mem>>)
      tpu.wait_dma2 semaphore(%run_scoped3A : memref<!tpu.dma_semaphore, #tpu.memory_space<semaphore_mem>>) src(%arg4 : memref<32xf32, #tpu.memory_space<hbm>>) dst(%arg8 : memref<32xf32, #tpu.memory_space<vmem>>)
      tpu.yield
    }) : () -> ()
    tpu.wait_dma2 semaphore(%arg10 : memref<!tpu.dma_semaphore, #tpu.memory_space<semaphore_mem>>) src(%arg3 : memref<100000xi32, #tpu.memory_space<hbm>>) dst(%arg7 : memref<100000xi32, #tpu.memory_space<vmem>>)
    %dma_wait3A = tpu.memref_slice %arg2[%mul3A_0] : memref<204800xi32, #tpu.memory_space<hbm>> -> memref<12800xi32, #tpu.memory_space<hbm>>
    %dma_wait3A_2 = tpu.memref_slice %arg2[%mul3A_0] : memref<204800xi32, #tpu.memory_space<hbm>> -> memref<12800xi32, #tpu.memory_space<hbm>>
    tpu.wait_dma2 semaphore(%arg11 : memref<!tpu.dma_semaphore, #tpu.memory_space<semaphore_mem>>) src(%dma_wait3A_2 : memref<12800xi32, #tpu.memory_space<hbm>>) dst(%arg6 : memref<12800xi32, #tpu.memory_space<vmem>>)
    %iota3A = tpu.iota {dimensions = array<i32: 0>} : vector<16xi32>
    %eq3A = arith.constant 0 : i32
    %eq3A_3 = vector.broadcast %eq3A : i32 to vector<16xi32>
    %eq3A_4 = arith.cmpi eq, %iota3A, %eq3A_3 : vector<16xi32>
    %get3A = arith.constant 0 : index
    %get3A_5 = tpu.vector_load %arg7[%get3A] {strides = array<i32>} : memref<100000xi32, #tpu.memory_space<vmem>>, vector<16xi32>,
    %jit3A = arith.constant 0 : i32
    %broadcast_in_dim3A = vector.broadcast %jit3A : i32 to vector<16xi32>
    %select_n3A = arith.select %eq3A_4, %broadcast_in_dim3A, %get3A_5 : vector<16xi1>, vector<16xi32>
    %swap3A = arith.constant 0 : index
    %swap3A_6 = tpu.vector_load %arg7[%swap3A] {strides = array<i32>} : memref<100000xi32, #tpu.memory_space<vmem>>, vector<16xi32>,
    tpu.vector_store %arg7[%swap3A], %select_n3A {strides = array<i32>} : memref<100000xi32, #tpu.memory_space<vmem>>, vector<16xi32>,
    %get3A_7 = arith.constant 0 : index
    %get3A_8 = tpu.vector_load %arg8[%get3A_7] {strides = array<i32>} : memref<32xf32, #tpu.memory_space<vmem>>, vector<16xf32>,
    %get3A_9 = arith.constant 16 : index
    %get3A_10 = tpu.vector_load %arg8[%get3A_9] {strides = array<i32>} : memref<32xf32, #tpu.memory_space<vmem>>, vector<16xf32>,
    %broadcast_in_dim3A_11 = arith.constant 0.000000e+00 : f32
    %broadcast_in_dim3A_12 = vector.broadcast %broadcast_in_dim3A_11 : f32 to vector<16xf32>
    %broadcast_in_dim3A_13 = arith.constant -65536 : i32
    %broadcast_in_dim3A_14 = vector.broadcast %broadcast_in_dim3A_13 : i32 to vector<16xi32>
    %scan3A = arith.constant 0 : i32
    %scan3A_15 = arith.constant 200 : i32
    %scan3A_16 = arith.addi %scan3A, %scan3A_15 : i32
    %scan3A_17 = arith.constant 1 : i32
    %scan3A_18:8 = scf.for %scan3A_49 = %scan3A to %scan3A_16 step %scan3A_17 iter_args(%scan3A_50 = %broadcast_in_dim3A_12, %scan3A_51 = %broadcast_in_dim3A_12, %scan3A_52 = %broadcast_in_dim3A_12, %scan3A_53 = %broadcast_in_dim3A_12, %scan3A_54 = %broadcast_in_dim3A_12, %scan3A_55 = %broadcast_in_dim3A_12, %scan3A_56 = %broadcast_in_dim3A_12, %scan3A_57 = %broadcast_in_dim3A_12) -> (vector<16xf32>, vector<16xf32>, vector<16xf32>, vector<16xf32>, vector<16xf32>, vector<16xf32>, vector<16xf32>, vector<16xf32>)  : i32 {
      %mul3A_58 = arith.constant 64 : i32
      %mul3A_59 = arith.muli %scan3A_49, %mul3A_58 : i32
      %add3A_60 = arith.constant 0 : i32
      %add3A_61 = arith.addi %mul3A_59, %add3A_60 : i32
      %get3A_62 = arith.index_cast %add3A_61 : i32 to index
      %get3A_63 = tpu.vector_load %arg6[%get3A_62] {strides = array<i32>} : memref<12800xi32, #tpu.memory_space<vmem>>, vector<16xi32>,
      %gather3A = tpu.vector_load_idx %arg7[%get3A_63] : memref<100000xi32, #tpu.memory_space<vmem>>[vector<16xi32>], vector<16xi32>,
      %shift_left3A = arith.constant 16 : i32
      %shift_left3A_64 = vector.broadcast %shift_left3A : i32 to vector<16xi32>
      %shift_left3A_65 = arith.shli %gather3A, %shift_left3A_64 : vector<16xi32>
      %bitcast3A = vector.bitcast %shift_left3A_65 : vector<16xi32> to vector<16xf32>
      %and3A = arith.andi %gather3A, %broadcast_in_dim3A_14 : vector<16xi32>
      %bitcast3A_66 = vector.bitcast %and3A : vector<16xi32> to vector<16xf32>
      %add3A_67 = arith.addf %scan3A_50, %bitcast3A : vector<16xf32>
      %add3A_68 = arith.addf %scan3A_51, %bitcast3A_66 : vector<16xf32>
      %add3A_69 = arith.constant 16 : i32
      %add3A_70 = arith.addi %mul3A_59, %add3A_69 : i32
      %get3A_71 = arith.index_cast %add3A_70 : i32 to index
      %get3A_72 = tpu.vector_load %arg6[%get3A_71] {strides = array<i32>} : memref<12800xi32, #tpu.memory_space<vmem>>, vector<16xi32>,
      %gather3A_73 = tpu.vector_load_idx %arg7[%get3A_72] : memref<100000xi32, #tpu.memory_space<vmem>>[vector<16xi32>], vector<16xi32>,
      %shift_left3A_74 = arith.constant 16 : i32
      %shift_left3A_75 = vector.broadcast %shift_left3A_74 : i32 to vector<16xi32>
      %shift_left3A_76 = arith.shli %gather3A_73, %shift_left3A_75 : vector<16xi32>
      %bitcast3A_77 = vector.bitcast %shift_left3A_76 : vector<16xi32> to vector<16xf32>
      %and3A_78 = arith.andi %gather3A_73, %broadcast_in_dim3A_14 : vector<16xi32>
      %bitcast3A_79 = vector.bitcast %and3A_78 : vector<16xi32> to vector<16xf32>
      %add3A_80 = arith.addf %scan3A_52, %bitcast3A_77 : vector<16xf32>
      %add3A_81 = arith.addf %scan3A_53, %bitcast3A_79 : vector<16xf32>
      %add3A_82 = arith.constant 32 : i32
      %add3A_83 = arith.addi %mul3A_59, %add3A_82 : i32
      %get3A_84 = arith.index_cast %add3A_83 : i32 to index
      %get3A_85 = tpu.vector_load %arg6[%get3A_84] {strides = array<i32>} : memref<12800xi32, #tpu.memory_space<vmem>>, vector<16xi32>,
      %gather3A_86 = tpu.vector_load_idx %arg7[%get3A_85] : memref<100000xi32, #tpu.memory_space<vmem>>[vector<16xi32>], vector<16xi32>,
      %shift_left3A_87 = arith.constant 16 : i32
      %shift_left3A_88 = vector.broadcast %shift_left3A_87 : i32 to vector<16xi32>
      %shift_left3A_89 = arith.shli %gather3A_86, %shift_left3A_88 : vector<16xi32>
      %bitcast3A_90 = vector.bitcast %shift_left3A_89 : vector<16xi32> to vector<16xf32>
      %and3A_91 = arith.andi %gather3A_86, %broadcast_in_dim3A_14 : vector<16xi32>
      %bitcast3A_92 = vector.bitcast %and3A_91 : vector<16xi32> to vector<16xf32>
      %add3A_93 = arith.addf %scan3A_54, %bitcast3A_90 : vector<16xf32>
      %add3A_94 = arith.addf %scan3A_55, %bitcast3A_92 : vector<16xf32>
      %add3A_95 = arith.constant 48 : i32
      %add3A_96 = arith.addi %mul3A_59, %add3A_95 : i32
      %get3A_97 = arith.index_cast %add3A_96 : i32 to index
      %get3A_98 = tpu.vector_load %arg6[%get3A_97] {strides = array<i32>} : memref<12800xi32, #tpu.memory_space<vmem>>, vector<16xi32>,
      %gather3A_99 = tpu.vector_load_idx %arg7[%get3A_98] : memref<100000xi32, #tpu.memory_space<vmem>>[vector<16xi32>], vector<16xi32>,
      %shift_left3A_100 = arith.constant 16 : i32
      %shift_left3A_101 = vector.broadcast %shift_left3A_100 : i32 to vector<16xi32>
      %shift_left3A_102 = arith.shli %gather3A_99, %shift_left3A_101 : vector<16xi32>
      %bitcast3A_103 = vector.bitcast %shift_left3A_102 : vector<16xi32> to vector<16xf32>
      %and3A_104 = arith.andi %gather3A_99, %broadcast_in_dim3A_14 : vector<16xi32>
      %bitcast3A_105 = vector.bitcast %and3A_104 : vector<16xi32> to vector<16xf32>
      %add3A_106 = arith.addf %scan3A_56, %bitcast3A_103 : vector<16xf32>
      %add3A_107 = arith.addf %scan3A_57, %bitcast3A_105 : vector<16xf32>
      scf.yield %add3A_67, %add3A_68, %add3A_80, %add3A_81, %add3A_93, %add3A_94, %add3A_106, %add3A_107 : vector<16xf32>, vector<16xf32>, vector<16xf32>, vector<16xf32>, vector<16xf32>, vector<16xf32>, vector<16xf32>, vector<16xf32>
    }
    %scan3A_19 = arith.constant 200 : i32
    %add3A = arith.addf %scan3A_18#0, %get3A_8 : vector<16xf32>
    %swap3A_20 = arith.constant 0 : index
    %swap3A_21 = tpu.vector_load %arg9[%swap3A_20] {strides = array<i32>} : memref<128xf32, #tpu.memory_space<vmem>>, vector<16xf32>,
    tpu.vector_store %arg9[%swap3A_20], %add3A {strides = array<i32>} : memref<128xf32, #tpu.memory_space<vmem>>, vector<16xf32>,
    %add3A_22 = arith.addf %scan3A_18#1, %get3A_10 : vector<16xf32>
    %swap3A_23 = arith.constant 64 : index
    %swap3A_24 = tpu.vector_load %arg9[%swap3A_23] {strides = array<i32>} : memref<128xf32, #tpu.memory_space<vmem>>, vector<16xf32>,
    tpu.vector_store %arg9[%swap3A_23], %add3A_22 {strides = array<i32>} : memref<128xf32, #tpu.memory_space<vmem>>, vector<16xf32>,
    %add3A_25 = arith.addf %scan3A_18#2, %get3A_8 : vector<16xf32>
    %swap3A_26 = arith.constant 16 : index
    %swap3A_27 = tpu.vector_load %arg9[%swap3A_26] {strides = array<i32>} : memref<128xf32, #tpu.memory_space<vmem>>, vector<16xf32>,
    tpu.vector_store %arg9[%swap3A_26], %add3A_25 {strides = array<i32>} : memref<128xf32, #tpu.memory_space<vmem>>, vector<16xf32>,
    %add3A_28 = arith.addf %scan3A_18#3, %get3A_10 : vector<16xf32>
    %swap3A_29 = arith.constant 80 : index
    %swap3A_30 = tpu.vector_load %arg9[%swap3A_29] {strides = array<i32>} : memref<128xf32, #tpu.memory_space<vmem>>, vector<16xf32>,
    tpu.vector_store %arg9[%swap3A_29], %add3A_28 {strides = array<i32>} : memref<128xf32, #tpu.memory_space<vmem>>, vector<16xf32>,
    %add3A_31 = arith.addf %scan3A_18#4, %get3A_8 : vector<16xf32>
    %swap3A_32 = arith.constant 32 : index
    %swap3A_33 = tpu.vector_load %arg9[%swap3A_32] {strides = array<i32>} : memref<128xf32, #tpu.memory_space<vmem>>, vector<16xf32>,
    tpu.vector_store %arg9[%swap3A_32], %add3A_31 {strides = array<i32>} : memref<128xf32, #tpu.memory_space<vmem>>, vector<16xf32>,
    %add3A_34 = arith.addf %scan3A_18#5, %get3A_10 : vector<16xf32>
    %swap3A_35 = arith.constant 96 : index
    %swap3A_36 = tpu.vector_load %arg9[%swap3A_35] {strides = array<i32>} : memref<128xf32, #tpu.memory_space<vmem>>, vector<16xf32>,
    tpu.vector_store %arg9[%swap3A_35], %add3A_34 {strides = array<i32>} : memref<128xf32, #tpu.memory_space<vmem>>, vector<16xf32>,
    %add3A_37 = arith.addf %scan3A_18#6, %get3A_8 : vector<16xf32>
    %swap3A_38 = arith.constant 48 : index
    %swap3A_39 = tpu.vector_load %arg9[%swap3A_38] {strides = array<i32>} : memref<128xf32, #tpu.memory_space<vmem>>, vector<16xf32>,
    tpu.vector_store %arg9[%swap3A_38], %add3A_37 {strides = array<i32>} : memref<128xf32, #tpu.memory_space<vmem>>, vector<16xf32>,
    %add3A_40 = arith.addf %scan3A_18#7, %get3A_10 : vector<16xf32>
    %swap3A_41 = arith.constant 112 : index
    %swap3A_42 = tpu.vector_load %arg9[%swap3A_41] {strides = array<i32>} : memref<128xf32, #tpu.memory_space<vmem>>, vector<16xf32>,
    tpu.vector_store %arg9[%swap3A_41], %add3A_40 {strides = array<i32>} : memref<128xf32, #tpu.memory_space<vmem>>, vector<16xf32>,
    %mul3A_43 = arith.constant 64 : i32
    %mul3A_44 = arith.muli %arg1, %mul3A_43 : i32
    "tpu.region"() ({
      %run_scoped3A = tpu.sem_alloc : memref<!tpu.dma_semaphore, #tpu.memory_space<semaphore_mem>>
      %dma_start3A_49 = arith.constant 0 : i32
      %dma_start3A_50 = tpu.memref_slice %arg9[%dma_start3A_49] : memref<128xf32, #tpu.memory_space<vmem>> -> memref<64xf32, #tpu.memory_space<vmem>>
      %dma_start3A_51 = tpu.memref_slice %arg5[%mul3A_44] : memref<2048xf32, #tpu.memory_space<hbm>> -> memref<64xf32, #tpu.memory_space<hbm>>
      %dma_start3A_52 = tpu.memref_slice %arg5[%mul3A_44] : memref<2048xf32, #tpu.memory_space<hbm>> -> memref<64xf32, #tpu.memory_space<hbm>>
      %dma_start3A_53 = arith.constant 0 : i32
      %dma_start3A_54 = tpu.memref_slice %arg9[%dma_start3A_53] : memref<128xf32, #tpu.memory_space<vmem>> -> memref<64xf32, #tpu.memory_space<vmem>>
      tpu.enqueue_dma source(%dma_start3A_54 : memref<64xf32, #tpu.memory_space<vmem>>) target(%dma_start3A_52 : memref<64xf32, #tpu.memory_space<hbm>>) target_semaphore(%run_scoped3A : memref<!tpu.dma_semaphore, #tpu.memory_space<semaphore_mem>>)
      %dma_wait3A_55 = arith.constant 0 : i32
      %dma_wait3A_56 = tpu.memref_slice %arg9[%dma_wait3A_55] : memref<128xf32, #tpu.memory_space<vmem>> -> memref<64xf32, #tpu.memory_space<vmem>>
      %dma_wait3A_57 = tpu.memref_slice %arg5[%mul3A_44] : memref<2048xf32, #tpu.memory_space<hbm>> -> memref<64xf32, #tpu.memory_space<hbm>>
      %dma_wait3A_58 = tpu.memref_slice %arg5[%mul3A_44] : memref<2048xf32, #tpu.memory_space<hbm>> -> memref<64xf32, #tpu.memory_space<hbm>>
      %dma_wait3A_59 = arith.constant 0 : i32
      %dma_wait3A_60 = tpu.memref_slice %arg9[%dma_wait3A_59] : memref<128xf32, #tpu.memory_space<vmem>> -> memref<64xf32, #tpu.memory_space<vmem>>
      tpu.wait_dma2 semaphore(%run_scoped3A : memref<!tpu.dma_semaphore, #tpu.memory_space<semaphore_mem>>) src(%dma_wait3A_60 : memref<64xf32, #tpu.memory_space<vmem>>) dst(%dma_wait3A_58 : memref<64xf32, #tpu.memory_space<hbm>>)
      tpu.yield
    }) : () -> ()
    %mul3A_45 = arith.constant 64 : i32
    %mul3A_46 = arith.muli %arg1, %mul3A_45 : i32
    %add3A_47 = arith.constant 1024 : i32
    %add3A_48 = arith.addi %add3A_47, %mul3A_46 : i32
    "tpu.region"() ({
      %run_scoped3A = tpu.sem_alloc : memref<!tpu.dma_semaphore, #tpu.memory_space<semaphore_mem>>
      %dma_start3A_49 = arith.constant 64 : i32
      %dma_start3A_50 = tpu.memref_slice %arg9[%dma_start3A_49] : memref<128xf32, #tpu.memory_space<vmem>> -> memref<64xf32, #tpu.memory_space<vmem>>
      %dma_start3A_51 = tpu.memref_slice %arg5[%add3A_48] : memref<2048xf32, #tpu.memory_space<hbm>> -> memref<64xf32, #tpu.memory_space<hbm>>
      %dma_start3A_52 = tpu.memref_slice %arg5[%add3A_48] : memref<2048xf32, #tpu.memory_space<hbm>> -> memref<64xf32, #tpu.memory_space<hbm>>
      %dma_start3A_53 = arith.constant 64 : i32
      %dma_start3A_54 = tpu.memref_slice %arg9[%dma_start3A_53] : memref<128xf32, #tpu.memory_space<vmem>> -> memref<64xf32, #tpu.memory_space<vmem>>
      tpu.enqueue_dma source(%dma_start3A_54 : memref<64xf32, #tpu.memory_space<vmem>>) target(%dma_start3A_52 : memref<64xf32, #tpu.memory_space<hbm>>) target_semaphore(%run_scoped3A : memref<!tpu.dma_semaphore, #tpu.memory_space<semaphore_mem>>)
      %dma_wait3A_55 = arith.constant 64 : i32
      %dma_wait3A_56 = tpu.memref_slice %arg9[%dma_wait3A_55] : memref<128xf32, #tpu.memory_space<vmem>> -> memref<64xf32, #tpu.memory_space<vmem>>
      %dma_wait3A_57 = tpu.memref_slice %arg5[%add3A_48] : memref<2048xf32, #tpu.memory_space<hbm>> -> memref<64xf32, #tpu.memory_space<hbm>>
      %dma_wait3A_58 = tpu.memref_slice %arg5[%add3A_48] : memref<2048xf32, #tpu.memory_space<hbm>> -> memref<64xf32, #tpu.memory_space<hbm>>
      %dma_wait3A_59 = arith.constant 64 : i32
      %dma_wait3A_60 = tpu.memref_slice %arg9[%dma_wait3A_59] : memref<128xf32, #tpu.memory_space<vmem>> -> memref<64xf32, #tpu.memory_space<vmem>>
      tpu.wait_dma2 semaphore(%run_scoped3A : memref<!tpu.dma_semaphore, #tpu.memory_space<semaphore_mem>>) src(%dma_wait3A_60 : memref<64xf32, #tpu.memory_space<vmem>>) dst(%dma_wait3A_58 : memref<64xf32, #tpu.memory_space<hbm>>)
      tpu.yield
    }) : () -> ()
    return
  }
}

</mosaic_0001>

<sc_bundles>
// kernel: _bow_logits.3.cloned.1.call-start
scs
__scs_entry_jumppad:
0x0: {  	(pc) =	sbr.rel $0x88, $3  }
0x1: {  	(tag) =	ssettag $0x0;
	lr =	simm.s32 $0x1  }
0x2: {  	[smem:$0x3F9E] =	sst lr;
	_ =	strace $0xD0000000  }
0x3: {  	_ = 	snop  }
0x4: {  	_ = 	snop  }
0x5: {  	_ = 	snop  }
0x6: {  	_ = 	snop  }
0x7: {  	_ = 	snop  }
__scs_overlays_trampoline_lowered:
0x8: {  	[smem:$0x3FAD] =	sst s0  }
0x9: {  	[smem:$0x3FAE] =	sst s1  }
0xa: {  	[smem:$0x3FAF] =	sst s2  }
0xb: {  	[smem:$0x3FB0] =	sst s3  }
0xc: {  	[smem:$0x3FB1] =	sst s4  }
0xd: {  	[smem:$0x3FB2] =	sst s5  }
0xe: {  	[smem:$0x3FB3] =	sst s6  }
0xf: {  	[smem:$0x3FB4] =	sst s7  }
0x10: {  	[smem:$0x3FB5] =	sst s8  }
0x11: {  	[smem:$0x3FB6] =	sst s9;
	s0 =	simm.s32 @!p0 $0x0  }
0x12: {  	s1 =	sld [smem:$0x3F9C];
	s0 =	simm.s32 @p0 $0x1  }
0x13: {  	[smem:$0x3FB7] =	sst s0;
	s0 =	simm.s32 @!p1 $0x0  }
0x14: {  	s2 =	sld [smem:$0x3F9B];
	s0 =	simm.s32 @p1 $0x1  }
0x15: {  	[smem:$0x3FB8] =	sst s0;
	s0 =	simm.s32 @!p2 $0x0  }
0x16: {  	s3 =	sld [smem:$0x3FDB];
	s0 =	simm.s32 @p2 $0x1  }
0x17: {  	s4 =	simm.s32 $0x1BF5;
	[smem:$0x3FBA] =	sst s0  }
0x18: {  	s0 =	sld [smem:$0x3F9D];
	_ =	swait.ge [sflag:s4], $0x0  }
0x19: {  	s7 =	sld [smem:$0x3F9E]  }
0x1a: {  	s8 =	sadd.s32 $0xFFFFE003, lr  }
0x1b: {  	s9 =	sadd.s32 $0xFFFFFEF7, lr;
	s5 =	simm.s32 $0xFFFFFFFF;
	p2 =	slt.u32 s8, $0xFFFFF086  }
0x1c: {  	p1 =	slt.u32 s9, $0xF7A;
	s5 =	simm.s32 @!p2 $0x0  }
0x1d: {  	s5 =	simm.s32 @p1 $0x1;
	p0 =	seq.s32 s7, s2  }
0x1e: {  	s7 =	smul.u32 @!p0 $0xF7A, s2;
	p2 =	seq.s32 @!p0 s5, $0x0  }
0x1f: {  	s9 =	smul.u32 $0xF7A, s1;
	s8 =	simm.s32 @!p0 $0x1BF5;
	p2 =	por !p2, p0  }
0x20: {  	[sflag:s8] =	ssyncset.s32 @!p0 $0xFFFFF086;
	s6 =	sadd.s32 @!p0 s3, s7;
	s7 =	simm.s32 @!p0 $0x108  }
0x21: {  	s3 =	sadd.s32 s3, s9;
	s6 =	sadd.s32 @!p0 $0x88, s6;
	s7 =	simm.s32 @p2 $0x1082  }
0x22: {  	[simem:s7], [sflag:s8] =	dma.local @!p0 [hbm:s6], $0xF7A  }
0x23: {  	s9 =	sor.u32 $0xD0000000, s2;
	s6 =	simm.s32 $0x108;
	_ =	swait.ge @!p0 [sflag:s8], $0x0  }
0x24: {  	s3 =	sadd.s32 $0x88, s3;
	s6 =	simm.s32 @!p1 $0x1082;
	[sflag:s4] =	ssyncset.s32 $0xFFFFF086  }
0x25: {  	[simem:s6], [sflag:s4] =	dma.local [hbm:s3], $0xF7A  }
0x26: {  	[smem:$0x3F9E] =	sst s1;
	(tag) =	ssettag s2;
	_ =	strace s9  }
0x27: {  	s1 =	sld [smem:$0x3FAE]  }
0x28: {  	s2 =	sld [smem:$0x3FAF]  }
0x29: {  	s4 =	sld [smem:$0x3FB1]  }
0x2a: {  	p0 =	seq.s32 s5, $0x0;
	s5 =	sld [smem:$0x3FB2]  }
0x2b: {  	s6 =	sld [smem:$0x3FB3]  }
0x2c: {  	s7 =	sld [smem:$0x3FB4]  }
0x2d: {  	s3 =	simm.s32 $0x108;
	s8 =	sld [smem:$0x3FB5]  }
0x2e: {  	s3 =	simm.s32 @!p0 $0x1082;
	s9 =	sld [smem:$0x3FB6]  }
0x2f: {  	lr =	sadd.s32 s0, s3;
	s0 =	sld [smem:$0x3FAD]  }
0x30: {  	s3 =	sld [smem:$0x3FB0]  }
0x31: {  	[smem:$0x3FB9] =	sst s10  }
0x32: {  	s10 =	sld [smem:$0x3FB7];
	_ =	sdelay $0x3  }
0x33: {  	p0 =	seq.s32 s10, $0x1;
	s10 =	sld [smem:$0x3FB9];
	_ =	sdelay $0x3  }
0x34: {  	[smem:$0x3FB9] =	sst s10  }
0x35: {  	s10 =	sld [smem:$0x3FB8];
	_ =	sdelay $0x3  }
0x36: {  	p1 =	seq.s32 s10, $0x1;
	s10 =	sld [smem:$0x3FB9];
	_ =	sdelay $0x3  }
0x37: {  	[smem:$0x3FB9] =	sst s10  }
0x38: {  	s10 =	sld [smem:$0x3FBA]  }
0x39: {  	_ = 	snop;
	(pc) =	sbr.ind lr, $3  }
0x3a: {  	_ = 	snop  }
0x3b: {  	_ = 	snop  }
0x3c: {  	p2 =	seq.s32 s10, $0x1;
	s10 =	sld [smem:$0x3FB9]  }
0x3d: {  	_ =	shalt  }
0x3e: {  	_ =	shalt  }
0x3f: {  	_ =	shalt  }
0x40: {  	_ =	shalt  }
0x41: {  	_ =	shalt  }
0x42: {  	_ =	shalt  }
0x43: {  	_ =	shalt  }
0x44: {  	_ =	shalt  }
0x45: {  	_ =	shalt  }
0x46: {  	_ =	shalt  }
0x47: {  	_ =	shalt  }
0x48: {  	_ =	shalt  }
0x49: {  	_ =	shalt  }
0x4a: {  	_ =	shalt  }
0x4b: {  	_ =	shalt  }
0x4c: {  	_ =	shalt  }
0x4d: {  	_ =	shalt  }
0x4e: {  	_ =	shalt  }
0x4f: {  	_ =	shalt  }
0x50: {  	_ =	shalt  }
0x51: {  	_ =	shalt  }
0x52: {  	_ =	shalt  }
0x53: {  	_ =	shalt  }
0x54: {  	_ =	shalt  }
0x55: {  	_ =	shalt  }
0x56: {  	_ =	shalt  }
0x57: {  	_ =	shalt  }
0x58: {  	_ =	shalt  }
0x59: {  	_ =	shalt  }
0x5a: {  	_ =	shalt  }
0x5b: {  	_ =	shalt  }
0x5c: {  	_ =	shalt  }
0x5d: {  	_ =	shalt  }
0x5e: {  	_ =	shalt  }
0x5f: {  	_ =	shalt  }
0x60: {  	_ =	shalt  }
0x61: {  	_ =	shalt  }
0x62: {  	_ =	shalt  }
0x63: {  	_ =	shalt  }
0x64: {  	_ =	shalt  }
0x65: {  	_ =	shalt  }
0x66: {  	_ =	shalt  }
0x67: {  	_ =	shalt  }
0x68: {  	_ =	shalt  }
0x69: {  	_ =	shalt  }
0x6a: {  	_ =	shalt  }
0x6b: {  	_ =	shalt  }
0x6c: {  	_ =	shalt  }
0x6d: {  	_ =	shalt  }
0x6e: {  	_ =	shalt  }
0x6f: {  	_ =	shalt  }
0x70: {  	_ =	shalt  }
0x71: {  	_ =	shalt  }
0x72: {  	_ =	shalt  }
0x73: {  	_ =	shalt  }
0x74: {  	_ =	shalt  }
0x75: {  	_ =	shalt  }
0x76: {  	_ =	shalt  }
0x77: {  	_ =	shalt  }
0x78: {  	_ =	shalt  }
0x79: {  	_ =	shalt  }
0x7a: {  	_ =	shalt  }
0x7b: {  	_ =	shalt  }
0x7c: {  	_ =	shalt  }
0x7d: {  	_ =	shalt  }
0x7e: {  	_ =	shalt  }
0x7f: {  	_ =	shalt  }
0x80: {  	_ =	shalt  }
0x81: {  	_ =	shalt  }
0x82: {  	_ =	shalt  }
0x83: {  	_ =	shalt  }
0x84: {  	_ =	shalt  }
0x85: {  	_ =	shalt  }
0x86: {  	_ =	shalt  }
0x87: {  	_ =	shalt  }
.Lfunc_end0:
.L_simem_size_0:
called_computation_lowered:
.L_overlay_start_0:
0x88: {  	s0 =	sld [smem:$0x3FD9]  }
0x89: {  	s1 =	sld [smem:$0x3FFE];
	_ =	sdelay $0x3  }
0x8a: {  	s0 =	sadd.s32 s1, s0  }
0x8b: {  	[smem:$0x3FC5] =	sst s0  }
0x8c: {  	_ = 	snop  }
0x8d: {  	s0 =	sld [smem:$0x3FC9]  }
0x8e: {  	s17 =	sld [smem:$0x3FC8]  }
0x8f: {  	s2 =	sld [smem:$0x3FC7]  }
0x90: {  	s3 =	sld [smem:$0x3FD0];
	(tm) =	ssettm $0x1  }
0x91: {  	s4 =	sld [smem:$0x3FFB];
	_ =	sdelay $0x3  }
0x92: {  	_ =	strace s4  }
0x93: {  	s4 =	sld [smem:$0x3FFC];
	_ =	sdelay $0x3  }
0x94: {  	_ =	strace s4  }
0x95: {  	s4 =	sld [smem:$0x3FFD];
	_ =	sdelay $0x3  }
0x96: {  	_ =	strace s4  }
0x97: {  	_ =	strace $0x8FFFFFFF  }
0x98: {  	s18 =	sld [smem:$0x3FDB];
	_ =	sdelay $0x1  }
0x99: {  	s5 =	simm.s32 $_scs_section_size  }
0x9a: {  	s6 =	simm.s32 $_size__tile_overlayer_lowered;
	s7 =	simm.s32 $_tile_overlayer_lowered  }
0x9b: {  	s21 =	simm.s32 $0x1BFF;
	s20 =	sshll.u32 s7, $0x1;
	s4 =	sadd.s32 s5, s18  }
0x9c: {  	s8 =	simm.s32 $0x0;
	s19 =	sshll.u32 s6, $0x1;
	s6 =	sadd.s32 s20, s4  }
0x9d: {  	[timem:s8], [sflag:s21] =	dma.local [hbm:s6], s19  }
0x9e: {  	_ =	swait.ge [sflag:s21], s19  }
0x9f: {  	s5 =	ssub.s32 $0x0, s19;
	[sflag:s21] =	ssyncset.done $0x0  }
0xa0: {  	[sflag:s21] =	ssyncadd.s32 s5;
	_ =	sdelay $0x1  }
0xa1: {  	s22 =	simm.s32 $0x1B8B  }
0xa2: {  	_ =	swait.ge [sflag:s22], $0x1  }
0xa3: {  	[sflag:s22] =	ssyncset.done $0x0  }
0xa4: {  	s23 =	simm.s32 $0x1B8E;
	[sflag:s22] =	ssyncadd.s32 $0xFFFFFFFF  }
0xa5: {  	s24 =	simm.s32 $execute0_lowered;
	[smem:$0x3FD2] =	sst s23  }
0xa6: {  	s5 =	sshll.u32 s24, $0x1;
	_ =	strace $0x80000046;
	[dreg:$0x1] =	wrdreg $0xFFFFFFFF  }
0xa7: {  	s25 =	simm.s32 $_size_execute0_lowered;
	s4 =	sadd.s32 s4, s5;
	[dreg:$0x0] =	wrdreg $0x0  }
0xa8: {  	s5 =	sshll.u32 s25, $0x1;
	[dreg:$0x2] =	wrdreg s4  }
0xa9: {  	[dreg:$0x3] =	wrdreg s5  }
0xaa: {  	[dreg:$0x4] =	wrdreg $0xC0  }
0xab: {  	_ =	task [dreg:s8], $0x5FFFF  }
0xac: {  	[dreg:$0x1] =	wrdreg $0xFFFFFFFF  }
0xad: {  	[dreg:$0x0] =	wrdreg $0x60  }
0xae: {  	[dreg:$0x2] =	wrdreg s0  }
0xaf: {  	[dreg:$0x3] =	wrdreg s17  }
0xb0: {  	[dreg:$0x4] =	wrdreg s2  }
0xb1: {  	[dreg:$0x5] =	wrdreg s3  }
0xb2: {  	[dreg:$0x6] =	wrdreg $0x9  }
0xb3: {  	_ =	task.clear_ibuf [dreg:s8], $0x7FFFF;
	_ =	strace $0x90000046  }
0xb4: {  	s26 =	simm.s32 $0x9;
	_ =	strace $0x80000048  }
0xb5: {  	_ =	swait.ge [sflag:s26], $0x1  }
0xb6: {  	[sflag:s26] =	ssyncadd.s32 $0xFFFFFFFF  }
0xb7: {  	_ =	strace $0x90000048  }
0xb8: {  	_ =	sfence  }
0xb9: {  	s28 =	sld [smem:$0x0];
	_ =	sdelay $0x1  }
0xba: {  	s29 =	srdreg.scid  }
0xbb: {  	s30 =	sshll.u32 s29, $0xD;
	s31 =	sshrl.u32 s29, $0x2  }
0xbc: {  	s1 =	sand.u32 $0x1, s29;
	s2 =	sand.u32 $0x4000, s30;
	s0 =	sadd.s32 s31, s28  }
0xbd: {  	s1 =	sor.u32 s2, s1;
	s0 =	sshll.u32 s0, $0x11  }
0xbe: {  	s0 =	sor.u32 s0, s1  }
0xbf: {  	s0 =	sadd.s32 $0x8F2B, s0  }
0xc0: {  	[sflag:s0] =	ssyncadd.remote.s32 $0x1  }
0xc1: {  	_ =	sfence.sel $0xFFFF  }
0xc2: {  	[dreg:$0x0] =	wrdreg $0xFFFFFFFF;
	(pc) =	sbr.abs _section_cstart, $3  }
0xc3: {  	[dreg:$0x1] =	wrdreg $0xFFFFFFFF  }
0xc4: {  	_ =	task.clear_ibuf [dreg:s8], $0x2FFFF;
	_ =	strace $0x9FFFFFFF  }
0xc5: {  	(tm) =	ssettm $0x7FFFFFFF  }
tec
execute0_lowered:
.L_overlay_start_1:
0x0: {  	(tag) =	ssettag $0x1  }
0x1: {  	s4 =	rddreg [dreg:$0x0]  }
0x2: {  	s5 =	rddreg [dreg:$0x1]  }
0x3: {  	s6 =	rddreg [dreg:$0x2]  }
0x4: {  	s2 =	rddreg [dreg:$0x3]  }
0x5: {  	s0 =	rddreg [dreg:$0x4];
	s7 =	simm.s32 $0x0  }
0x6: {  	s1 =	stileid.u32;
	[smem:$0x7FF] =	sst s7  }
0x7: {  	s3 =	simm.s32 $0x3200;
	s8 =	smul.u32 $0x640, s1;
	_ =	strace $0x80000047  }
0x8: {  	[tilespmem:s3], [sflag:$0x1] =	stream.linear.gather [hbm4b:s5+s7], $0x18700, $0x38;
	[tilespmem:$0x1BA00] =	vst v63  }
0x9: {  	s4 =	sadd.s32 s4, s8  }
0xa: {  	[tilespmem:s7], [sflag:$0x2] =	stream.linear.gather [hbm4b:s4+s7], $0x3200, $0x38;
	[tilespmem:$0x1BA00] =	vst v63  }
0xb: {  	s24 =	simm.s32 $0x1B900;
	s25 =	simm.s32 $0x3  }
0xc: {  	[tilespmem:s24], [sflag:$0x3] =	stream.linear.gather [hbm4b:s6+s7], $0x80, $0x38;
	[tilespmem:$0x1BA00] =	vst v63  }
0xd: {  	_ =	swait.ge [sflag:s25], $0x80  }
0xe: {  	[sflag:s25] =	ssyncset.done $0x0  }
0xf: {  	s26 =	simm.s32 $0x1;
	[sflag:s25] =	ssyncadd.s32 $0xFFFFFF80  }
0x10: {  	_ =	swait.ge [sflag:s26], $0x18700  }
0x11: {  	[sflag:s26] =	ssyncset.done $0x0  }
0x12: {  	s28 =	simm.s32 $0x2;
	[sflag:s26] =	ssyncadd.s32 $0xFFFE7900  }
0x13: {  	_ =	swait.ge [sflag:s28], $0x3200  }
0x14: {  	[sflag:s28] =	ssyncset.done $0x0  }
0x15: {  	[sflag:s28] =	ssyncadd.s32 $0xFFFFCE00  }
0x16: {  	v0 =	vld [tilespmem:$0x3200];
	_ =	sdelay $0x2  }
0x17: {  	v1 =	vlaneseq.u32  }
0x18: {  	vm0 =	veq.s32 v1, $0x0  }
0x19: {  	v1 =	vsel vm0, $0x0, v0;
	v0 =	vld [tilespmem:$0x1B900]  }
0x1a: {  	s29 =	simm.s32 $0x0;
	[tilespmem:$0x3200] =	vst v1;
	v1 =	vld [tilespmem:$0x1B910]  }
0x1b: {  	v2 =	vld [tilespmem:s29+$0x10]  }
0x1c: {  	v3 =	vld [tilespmem:s29+$0x30]  }
0x1d: {  	v5 =	vld [tilespmem:s29+$0x0]  }
0x1e: {  	s30 =	simm.s32 $0x40;
	v6 =	vld [tilespmem:s29+$0x20]  }
0x1f: {  	v11 =	vld [tilespmem:s30+$0x0]  }
0x20: {  	v10 =	vld [tilespmem:s30+$0x10]  }
0x21: {  	v4 =	vld [tilespmem:s30+$0x20]  }
0x22: {  	v13 =	vld [tilespmem:s30+$0x30]  }
0x23: {  	v2 =	vld.idx.msk [tilespmem:v2+s3+$0x0], $0xffff  }
0x24: {  	v12 =	vld.idx.msk [tilespmem:v3+s3+$0x0], $0xffff  }
0x25: {  	s31 =	simm.s32 $0x80;
	v14 =	vld.idx.msk [tilespmem:v5+s3+$0x0], $0xffff  }
0x26: {  	v7 =	vld [tilespmem:s31+$0x0]  }
0x27: {  	v17 =	vld.idx.msk [tilespmem:v6+s3+$0x0], $0xffff  }
0x28: {  	v8 =	vimm.f32 $0.0e+00;
	v5 =	vld [tilespmem:s31+$0x10]  }
0x29: {  	v3 =	vld [tilespmem:s31+$0x20];
	v6 =	vshll.u32 v2, $0x10;
	v15 =	vand.u32 $0xFFFF0000, v2;
	v16 =	vand.u32 $0xFFFF0000, v12  }
0x2a: {  	v2 =	vld [tilespmem:s31+$0x30];
	v18 =	vand.u32 $0xFFFF0000, v14;
	v20 =	vshll.u32 v12, $0x10;
	v9 =	vadd.f32 v6, v8  }
0x2b: {  	v19 =	vshll.u32 v14, $0x10;
	v6 =	vadd.f32 v15, v8;
	v15 =	vld.idx.msk [tilespmem:v10+s3+$0x0], $0xffff;
	v12 =	vadd.f32 v16, v8  }
0x2c: {  	v10 =	vadd.f32 v18, v8;
	v16 =	vld.idx.msk [tilespmem:v13+s3+$0x0], $0xffff;
	v18 =	vshll.u32 v17, $0x10;
	v13 =	vand.u32 $0xFFFF0000, v17  }
0x2d: {  	s4 =	simm.s32 $0x300;
	v14 =	vld.idx.msk [tilespmem:v11+s3+$0x0], $0xffff;
	v11 =	vadd.f32 v20, v8;
	v17 =	vimm.f32 $0.0e+00;
	v13 =	vadd.f32 v13, v8  }
.LBB2_1:
0x2e: {  	s5 =	sshra.s32 s4, $0x2;
	p0 =	sne.s32 s4, $0xC700;
	s4 =	sadd.s32 $0x100, s4;
	v20 =	vld.idx.msk [tilespmem:v4+s3+$0x0], $0xffff;
	v8 =	vadd.f32 v19, v8;
	v17 =	vadd.f32 v18, v17;
	v18 =	vmovc v5;
	v4 =	vmov v3  }
0x2f: {  	v21 =	vld [tilespmem:s5+$0x0];
	v19 =	vmov v2  }
0x30: {  	v5 =	vld [tilespmem:s5+$0x10]  }
.Ltmp0:
0x31: {  	v22 =	vshll.u32 v15, $0x10;
	v23 =	vand.u32 $0xFFFF0000, v15;
	v3 =	vld [tilespmem:s5+$0x20];
	(pc) =	sbr.rel @p0 .LBB2_1-.Ltmp0, $4  }
0x32: {  	v9 =	vadd.f32 v22, v9;
	v22 =	vshll.u32 v16, $0x10;
	v16 =	vand.u32 $0xFFFF0000, v16;
	v2 =	vld [tilespmem:s5+$0x30]  }
0x33: {  	v6 =	vadd.f32 v23, v6;
	v12 =	vadd.f32 v16, v12;
	v15 =	vld.idx.msk [tilespmem:v18+s3+$0x0], $0xffff;
	v18 =	vand.u32 $0xFFFF0000, v14  }
0x34: {  	v16 =	vld.idx.msk [tilespmem:v19+s3+$0x0], $0xffff;
	v10 =	vadd.f32 v18, v10;
	v18 =	vshll.u32 v20, $0x10;
	v20 =	vand.u32 $0xFFFF0000, v20  }
0x35: {  	v11 =	vadd.f32 v22, v11;
	v19 =	vshll.u32 v14, $0x10;
	v14 =	vld.idx.msk [tilespmem:v7+s3+$0x0], $0xffff;
	v13 =	vadd.f32 v20, v13;
	v7 =	vmovc v21  }
0x36: {  	_ =	sdelay $0x3  }
0x37: {  	v4 =	vld.idx.msk [tilespmem:v4+s3+$0x0], $0xffff  }
0x38: {  	v8 =	vadd.f32 v19, v8;
	v5 =	vld.idx.msk [tilespmem:v5+s3+$0x0], $0xffff;
	v49 =	vshll.u32 v15, $0x10  }
0x39: {  	v17 =	vadd.f32 v18, v17;
	v50 =	vand.u32 $0xFFFF0000, v15;
	v9 =	vadd.f32 v49, v9  }
0x3a: {  	v7 =	vld.idx.msk [tilespmem:v7+s3+$0x0], $0xffff;
	v51 =	vshll.u32 v16, $0x10;
	v52 =	vand.u32 $0xFFFF0000, v16;
	v6 =	vadd.f32 v50, v6  }
0x3b: {  	v53 =	vand.u32 $0xFFFF0000, v14;
	v12 =	vadd.f32 v52, v12;
	v54 =	vshll.u32 v14, $0x10  }
0x3c: {  	v2 =	vld.idx.msk [tilespmem:v2+s3+$0x0], $0xffff;
	v11 =	vadd.f32 v51, v11;
	v10 =	vadd.f32 v53, v10;
	v55 =	vand.u32 $0xFFFF0000, v4  }
0x3d: {  	v8 =	vadd.f32 v54, v8;
	v4 =	vshll.u32 v4, $0x10;
	v57 =	vshll.u32 v5, $0x10  }
0x3e: {  	v3 =	vld.idx.msk [tilespmem:v3+s3+$0x0], $0xffff;
	v5 =	vand.u32 $0xFFFF0000, v5;
	v13 =	vadd.f32 v55, v13;
	v9 =	vadd.f32 v57, v9  }
0x3f: {  	v56 =	vshll.u32 v7, $0x10;
	v4 =	vadd.f32 v4, v17;
	v5 =	vadd.f32 v5, v6  }
0x40: {  	v7 =	vand.u32 $0xFFFF0000, v7;
	v8 =	vadd.f32 v56, v8;
	v59 =	vadd.f32 v9, v0  }
0x41: {  	v60 =	vshll.u32 v2, $0x10;
	v7 =	vadd.f32 v7, v10;
	v5 =	vadd.f32 v5, v1  }
0x42: {  	v2 =	vand.u32 $0xFFFF0000, v2;
	v61 =	vadd.f32 v60, v11;
	v8 =	vadd.f32 v8, v0;
	[tilespmem:$0x1B990] =	vst v59  }
0x43: {  	v58 =	vshll.u32 v3, $0x10;
	v2 =	vadd.f32 v2, v12;
	v7 =	vadd.f32 v7, v1;
	[tilespmem:$0x1B9D0] =	vst v5  }
0x44: {  	v3 =	vand.u32 $0xFFFF0000, v3;
	v4 =	vadd.f32 v58, v4;
	v62 =	vadd.f32 v61, v0;
	[tilespmem:$0x1B980] =	vst v8  }
0x45: {  	v3 =	vadd.f32 v3, v13;
	v63 =	vadd.f32 v2, v1;
	[tilespmem:$0x1B9C0] =	vst v7  }
0x46: {  	v4 =	vadd.f32 v4, v0;
	[tilespmem:$0x1B9B0] =	vst v62  }
0x47: {  	v3 =	vadd.f32 v3, v1;
	[tilespmem:$0x1B9F0] =	vst v63  }
0x48: {  	s29 =	sshll.u32 s1, $0x3;
	s30 =	simm.s32 $0x0;
	[tilespmem:$0x1B9A0] =	vst v4  }
0x49: {  	s4 =	simm.s32 $0x1B980;
	s31 =	simm.s32 $0x3;
	s2 =	sadd.s32 s2, s29;
	[tilespmem:$0x1B9E0] =	vst v3  }
0x4a: {  	[hbm4b:s2+s30] =	stream.linear.scatter [tilespmem:s4], [sflag:$0x3], $0x40, $0x38;
	[tilespmem:$0x1BA00] =	vst v63  }
0x4b: {  	_ =	swait.ge [sflag:s31], $0x40  }
0x4c: {  	[sflag:s31] =	ssyncset.done $0x0  }
0x4d: {  	s5 =	simm.s32 $0x1B9C0;
	s2 =	sadd.s32 $0x80, s2;
	[sflag:s31] =	ssyncadd.s32 $0xFFFFFFC0  }
0x4e: {  	[hbm4b:s2+s30] =	stream.linear.scatter [tilespmem:s5], [sflag:$0x3], $0x40, $0x38;
	[tilespmem:$0x1BA00] =	vst v63  }
0x4f: {  	_ =	swait.ge [sflag:s31], $0x40  }
0x50: {  	[sflag:s31] =	ssyncset.done $0x0  }
0x51: {  	[sflag:s31] =	ssyncadd.s32 $0xFFFFFFC0  }
0x52: {  	_ =	sfence.sel $0x180000  }
0x53: {  	[bflag:$0x0] =	sbarrier.arrive $0xFFFF  }
0x54: {  	p0 =	sne.s32 s1, $0x0;
	_ =	strace $0x90000047  }
0x55: {  	s0 =	sadd.s32 @!p0 $0x100000, s0;
	[bflag:$0x2] =	sbarrier.arrive $0xFFFF  }
0x56: {  	[sflag:s0] =	ssyncadd.tile.s32 @!p0 $0x1;
	_ =	shalt  }
.Lfunc_end2:
_tile_overlayer_lowered:
.L_overlay_start_2:
0x57: {  	(tag) =	ssettag $0x2  }
0x58: {  	s0 =	rddreg [dreg:$0x0];
	s2 =	stileid.u32  }
0x59: {  	s1 =	rddreg [dreg:$0x1];
	p0 =	sne.s32 s2, $0x0  }
0x5a: {  	s3 =	rddreg [dreg:$0x2];
	[bflag:$0x3] =	sbarrier.arrive $0xFFFF;
	s2 =	simm.s32 @!p0 $0x1C03  }
0x5b: {  	[timem:s3], [sflag:s2] =	dma.local @!p0 [hbm:s0], s1  }
0x5c: {  	s0 =	simm.s32 @!p0 $0x3  }
0x5d: {  	_ =	swait.ge @!p0 [sflag:s0], s1  }
0x5e: {  	s1 =	ssub.s32 @!p0 $0x0, s1;
	[sflag:s0] =	ssyncset.done @!p0 $0x0  }
0x5f: {  	[sflag:s0] =	ssyncadd.s32 @!p0 s1  }
0x60: {  	[bflag:$0x3] =	sbarrier.arrive $0xFFFF  }
0x61: {  	_ =	shalt  }

</sc_bundles>
